<compile_context>
chip_gen: v7x
topology: tpu7x:2x2x1
jax: 0.10.2.dev20260603
libtpu: 0.0.44.dev20260713+nightly
codegen_flags: <defaults>
</compile_context>

<pallas_src>
import jax
import jax.numpy as jnp
from jax import lax
from jax.experimental import pallas as pl
from jax.experimental.pallas import tpu as pltpu
from jax.experimental.pallas import tpu_sc as plsc

N_TASKS = 16
N_MODALITIES = 8
PRIOR_LEN = 16
EMBED_DIM = 768
BATCH = 1024

NW = 32
SLABS = 2 * BATCH
SPW = SLABS // NW
CB = 4
NCH = SPW // CB
BPC = CB // 2


def _gather_body(table, idx_h, out, idx_v, buf0, buf1, sem0, sem1):
    nc = 2
    wid = lax.axis_index("s") * nc + lax.axis_index("c")
    b0 = wid * (BATCH // NW)
    pltpu.sync_copy(idx_h.at[pl.ds(wid * NCH * 8, NCH * 8)], idx_v)
    bufs = (buf0, buf1)
    sems = (sem0, sem1)

    def issue(g, s):
        pltpu.async_copy(table.at[idx_v.at[pl.ds(g * 8, CB)]], bufs[s], sems[s])

    def drain(s):
        pltpu.make_async_copy(table.at[idx_v.at[pl.ds(0, CB)]], bufs[s], sems[s]).wait()

    def store(g, s):
        pltpu.sync_copy(bufs[s].reshape(BPC, 2 * PRIOR_LEN, EMBED_DIM),
                        out.at[pl.ds(b0 + g * BPC, BPC)])

    issue(0, 0)
    issue(1, 1)

    def body(k, carry):
        for s in range(2):
            g = 2 * k + s
            drain(s)
            store(g, s)
            issue(g + 2, s)
        return carry

    lax.fori_loop(0, NCH // 2 - 1, body, 0)

    for s in range(2):
        g = NCH - 2 + s
        drain(s)
        store(g, s)


@jax.jit
def _gather(table, src_idx):
    mesh = plsc.VectorSubcoreMesh(core_axis_name="c", subcore_axis_name="s")
    f = pl.kernel(
        _gather_body,
        out_type=jax.ShapeDtypeStruct((BATCH, 2 * PRIOR_LEN, EMBED_DIM), jnp.float32),
        mesh=mesh,
        scratch_types=[
            pltpu.VMEM((NCH * 8,), jnp.int32),
            pltpu.VMEM((CB, PRIOR_LEN, EMBED_DIM), jnp.float32),
            pltpu.VMEM((CB, PRIOR_LEN, EMBED_DIM), jnp.float32),
            pltpu.SemaphoreType.DMA,
            pltpu.SemaphoreType.DMA,
        ],
        compiler_params=pltpu.CompilerParams(use_tc_tiling_on_sc=True),
    )
    return f(table, src_idx)


def kernel(task_table, modality_table, task_idx, modality_idx):
    table = jnp.concatenate([task_table, modality_table], axis=0)
    src = jnp.stack([task_idx.astype(jnp.int32),
                     modality_idx.astype(jnp.int32) + N_TASKS], axis=1)
    src = src.reshape(-1, CB)
    src = jnp.pad(src, ((0, 0), (0, 8 - CB))).reshape(-1)
    return _gather(table, src)

# --- scband reference (transcript-rebuilt; emitter-appended) ---
"""Pipeline reference for scband-context-prior-pool-28372553957819 (READ-ONLY COPY).

The authoritative reference and input builder live on the scoring server;
editing this copy changes nothing except your own understanding.
"""

import jax, jax.numpy as jnp
import numpy as np

N_TASKS = 16
N_MODALITIES = 8
PRIOR_LEN = 16
EMBED_DIM = 768
BATCH = 1024

def setup_inputs(seed: int = 0) -> dict:
    key = jax.random.key(seed)
    k1, k2, k3, k4 = jax.random.split(key, 4)
    # Learned parameters: per-task and per-modality prior embeddings,
    # stacked into dense tables so lookup-by-name becomes lookup-by-index.
    task_table = jax.random.normal(k1, (N_TASKS, PRIOR_LEN, EMBED_DIM), dtype=jnp.float32) * 0.02
    modality_table = jax.random.normal(k2, (N_MODALITIES, PRIOR_LEN, EMBED_DIM), dtype=jnp.float32) * 0.02
    task_idx = jax.random.randint(k3, (BATCH,), 0, N_TASKS, dtype=jnp.int64 if jax.config.jax_enable_x64 else jnp.int32)
    modality_idx = jax.random.randint(k4, (BATCH,), 0, N_MODALITIES, dtype=jnp.int64 if jax.config.jax_enable_x64 else jnp.int32)
    return {"task_table": task_table, "modality_table": modality_table,
            "task_idx": task_idx, "modality_idx": modality_idx}

def reference(task_table, modality_table, task_idx, modality_idx):
    # get_task_prior / get_modality_prior for a batch of (task, modality) requests:
    # embedding-style gather of the per-task and per-modality prior token blocks,
    # returned concatenated along the token axis, mirroring how the priors are
    # prepended to a token stream downstream.
    task_prior = jnp.take(task_table, task_idx, axis=0)          # [B, PRIOR_LEN, D]
    modality_prior = jnp.take(modality_table, modality_idx, axis=0)  # [B, PRIOR_LEN, D]
    out = jnp.concatenate([task_prior, modality_prior], axis=1)  # [B, 2*PRIOR_LEN, D]
    return out

if __name__ == "__main__":
    import jax
    _d = setup_inputs()
    print(jax.jit(kernel)(*tuple(_d.values())))

</pallas_src>

<mosaic_0001>
#map = affine_map<(d0, d1) -> (0, 0, 0)>
#map1 = affine_map<(d0, d1) -> (0)>
module attributes {stable_mosaic.version = 14 : i64} {
  func.func @_gather_body(%arg0: i32, %arg1: i32, %arg2: memref<24x16x768xf32, #tpu.memory_space<hbm>>, %arg3: memref<4096xi32, #tpu.memory_space<hbm>>, %arg4: memref<1024x32x768xf32, #tpu.memory_space<hbm>>, %arg5: memref<128xi32, #tpu.memory_space<vmem>>, %arg6: memref<4x16x768xf32, #tpu.memory_space<vmem>>, %arg7: memref<4x16x768xf32, #tpu.memory_space<vmem>>, %arg8: memref<!tpu.dma_semaphore, #tpu.memory_space<semaphore_mem>>, %arg9: memref<!tpu.dma_semaphore, #tpu.memory_space<semaphore_mem>>) attributes {dimension_semantics = [#tpu.dimension_semantics<core_parallel>, #tpu.dimension_semantics<subcore_parallel>], iteration_bounds = array<i64: 2, 16>, scalar_prefetch = 0 : i64, scratch_operands = 5 : i64, tpu.core_type = #tpu.core_type<sc_vector_subcore>, window_params = [{transform_indices = #map}, {transform_indices = #map1}, {transform_indices = #map}]} {
    %mul3A = arith.constant 2 : i32
    %mul3A_0 = arith.muli %arg1, %mul3A : i32
    %add3A = arith.addi %mul3A_0, %arg0 : i32
    %mul3A_1 = arith.constant 32 : i32
    %mul3A_2 = arith.muli %add3A, %mul3A_1 : i32
    %mul3A_3 = arith.constant 16 : i32
    %mul3A_4 = arith.muli %add3A, %mul3A_3 : i32
    %mul3A_5 = arith.constant 8 : i32
    %mul3A_6 = arith.muli %mul3A_4, %mul3A_5 : i32
    "tpu.region"() ({
      %run_scoped3A = tpu.sem_alloc : memref<!tpu.dma_semaphore, #tpu.memory_space<semaphore_mem>>
      %dma_start3A_38 = tpu.memref_slice %arg3[%mul3A_6] : memref<4096xi32, #tpu.memory_space<hbm>> -> memref<128xi32, #tpu.memory_space<hbm>>
      %dma_start3A_39 = tpu.memref_slice %arg3[%mul3A_6] : memref<4096xi32, #tpu.memory_space<hbm>> -> memref<128xi32, #tpu.memory_space<hbm>>
      tpu.enqueue_dma source(%dma_start3A_39 : memref<128xi32, #tpu.memory_space<hbm>>) target(%arg5 : memref<128xi32, #tpu.memory_space<vmem>>) target_semaphore(%run_scoped3A : memref<!tpu.dma_semaphore, #tpu.memory_space<semaphore_mem>>)
      %dma_wait3A_40 = tpu.memref_slice %arg3[%mul3A_6] : memref<4096xi32, #tpu.memory_space<hbm>> -> memref<128xi32, #tpu.memory_space<hbm>>
      %dma_wait3A_41 = tpu.memref_slice %arg3[%mul3A_6] : memref<4096xi32, #tpu.memory_space<hbm>> -> memref<128xi32, #tpu.memory_space<hbm>>
      tpu.wait_dma2 semaphore(%run_scoped3A : memref<!tpu.dma_semaphore, #tpu.memory_space<semaphore_mem>>) src(%dma_wait3A_41 : memref<128xi32, #tpu.memory_space<hbm>>) dst(%arg5 : memref<128xi32, #tpu.memory_space<vmem>>)
      tpu.yield
    }) : () -> ()
    %dma_start3A = arith.constant 0 : i32
    %dma_start3A_7 = tpu.memref_slice %arg5[%dma_start3A] : memref<128xi32, #tpu.memory_space<vmem>> -> memref<4xi32, #tpu.memory_space<vmem>>
    %dma_start3A_8 = arith.constant 0 : i32
    %dma_start3A_9 = arith.constant 0 : i32
    %dma_start3A_10 = arith.constant 0 : i32
    %dma_start3A_11 = tpu.memref_slice %arg2[%dma_start3A_8, %dma_start3A_9, %dma_start3A_10] : memref<24x16x768xf32, #tpu.memory_space<hbm>> -> memref<24x16x768xf32, #tpu.memory_space<hbm>>
    tpu.enqueue_indirect_dma source(%dma_start3A_11 : memref<24x16x768xf32, #tpu.memory_space<hbm>>) target(%arg6 : memref<4x16x768xf32, #tpu.memory_space<vmem>>) offsets(%dma_start3A_7 : memref<4xi32, #tpu.memory_space<vmem>>) semaphore(%arg8 : memref<!tpu.dma_semaphore, #tpu.memory_space<semaphore_mem>>)
    %dma_start3A_12 = arith.constant 8 : i32
    %dma_start3A_13 = tpu.memref_slice %arg5[%dma_start3A_12] : memref<128xi32, #tpu.memory_space<vmem>> -> memref<4xi32, #tpu.memory_space<vmem>>
    %dma_start3A_14 = arith.constant 0 : i32
    %dma_start3A_15 = arith.constant 0 : i32
    %dma_start3A_16 = arith.constant 0 : i32
    %dma_start3A_17 = tpu.memref_slice %arg2[%dma_start3A_14, %dma_start3A_15, %dma_start3A_16] : memref<24x16x768xf32, #tpu.memory_space<hbm>> -> memref<24x16x768xf32, #tpu.memory_space<hbm>>
    tpu.enqueue_indirect_dma source(%dma_start3A_17 : memref<24x16x768xf32, #tpu.memory_space<hbm>>) target(%arg7 : memref<4x16x768xf32, #tpu.memory_space<vmem>>) offsets(%dma_start3A_13 : memref<4xi32, #tpu.memory_space<vmem>>) semaphore(%arg9 : memref<!tpu.dma_semaphore, #tpu.memory_space<semaphore_mem>>)
    %scan3A = arith.constant 0 : i32
    %scan3A_18 = arith.constant 0 : i32
    %scan3A_19 = arith.constant 7 : i32
    %scan3A_20 = arith.addi %scan3A_18, %scan3A_19 : i32
    %scan3A_21 = arith.constant 1 : i32
    scf.for %scan3A_38 = %scan3A_18 to %scan3A_20 step %scan3A_21  : i32 {
      %mul3A_39 = arith.constant 2 : i32
      %mul3A_40 = arith.muli %mul3A_39, %scan3A_38 : i32
      %add3A_41 = arith.constant 0 : i32
      %add3A_42 = arith.addi %mul3A_40, %add3A_41 : i32
      %dma_wait3A_43 = arith.constant 0 : i32
      %dma_wait3A_44 = tpu.memref_slice %arg5[%dma_wait3A_43] : memref<128xi32, #tpu.memory_space<vmem>> -> memref<4xi32, #tpu.memory_space<vmem>>
      %dma_wait3A_45 = arith.constant 0 : i32
      %dma_wait3A_46 = arith.constant 0 : i32
      %dma_wait3A_47 = arith.constant 0 : i32
      %dma_wait3A_48 = tpu.memref_slice %arg2[%dma_wait3A_45, %dma_wait3A_46, %dma_wait3A_47] : memref<24x16x768xf32, #tpu.memory_space<hbm>> -> memref<24x16x768xf32, #tpu.memory_space<hbm>>
      tpu.wait_indirect_dma semaphore(%arg8 : memref<!tpu.dma_semaphore, #tpu.memory_space<semaphore_mem>>) src(%dma_wait3A_48 : memref<24x16x768xf32, #tpu.memory_space<hbm>>) dst(%arg6 : memref<4x16x768xf32, #tpu.memory_space<vmem>>)
      %mul3A_49 = arith.constant 2 : i32
      %mul3A_50 = arith.muli %add3A_42, %mul3A_49 : i32
      %add3A_51 = arith.addi %mul3A_2, %mul3A_50 : i32
      "tpu.region"() ({
        %run_scoped3A = tpu.sem_alloc : memref<!tpu.dma_semaphore, #tpu.memory_space<semaphore_mem>>
        %dma_start3A_83 = tpu.memref_reshape %arg6 : memref<4x16x768xf32, #tpu.memory_space<vmem>> -> memref<2x32x768xf32, #tpu.memory_space<vmem>>
        %dma_start3A_84 = arith.constant 0 : i32
        %dma_start3A_85 = arith.constant 0 : i32
        %dma_start3A_86 = tpu.memref_slice %arg4[%add3A_51, %dma_start3A_84, %dma_start3A_85] : memref<1024x32x768xf32, #tpu.memory_space<hbm>> -> memref<2x32x768xf32, #tpu.memory_space<hbm>>
        %dma_start3A_87 = arith.constant 0 : i32
        %dma_start3A_88 = arith.constant 0 : i32
        %dma_start3A_89 = tpu.memref_slice %arg4[%add3A_51, %dma_start3A_87, %dma_start3A_88] : memref<1024x32x768xf32, #tpu.memory_space<hbm>> -> memref<2x32x768xf32, #tpu.memory_space<hbm>>
        %dma_start3A_90 = tpu.memref_reshape %arg6 : memref<4x16x768xf32, #tpu.memory_space<vmem>> -> memref<2x32x768xf32, #tpu.memory_space<vmem>>
        tpu.enqueue_dma source(%dma_start3A_90 : memref<2x32x768xf32, #tpu.memory_space<vmem>>) target(%dma_start3A_89 : memref<2x32x768xf32, #tpu.memory_space<hbm>>) target_semaphore(%run_scoped3A : memref<!tpu.dma_semaphore, #tpu.memory_space<semaphore_mem>>)
        %dma_wait3A_91 = tpu.memref_reshape %arg6 : memref<4x16x768xf32, #tpu.memory_space<vmem>> -> memref<2x32x768xf32, #tpu.memory_space<vmem>>
        %dma_wait3A_92 = arith.constant 0 : i32
        %dma_wait3A_93 = arith.constant 0 : i32
        %dma_wait3A_94 = tpu.memref_slice %arg4[%add3A_51, %dma_wait3A_92, %dma_wait3A_93] : memref<1024x32x768xf32, #tpu.memory_space<hbm>> -> memref<2x32x768xf32, #tpu.memory_space<hbm>>
        %dma_wait3A_95 = arith.constant 0 : i32
        %dma_wait3A_96 = arith.constant 0 : i32
        %dma_wait3A_97 = tpu.memref_slice %arg4[%add3A_51, %dma_wait3A_95, %dma_wait3A_96] : memref<1024x32x768xf32, #tpu.memory_space<hbm>> -> memref<2x32x768xf32, #tpu.memory_space<hbm>>
        %dma_wait3A_98 = tpu.memref_reshape %arg6 : memref<4x16x768xf32, #tpu.memory_space<vmem>> -> memref<2x32x768xf32, #tpu.memory_space<vmem>>
        tpu.wait_dma2 semaphore(%run_scoped3A : memref<!tpu.dma_semaphore, #tpu.memory_space<semaphore_mem>>) src(%dma_wait3A_98 : memref<2x32x768xf32, #tpu.memory_space<vmem>>) dst(%dma_wait3A_97 : memref<2x32x768xf32, #tpu.memory_space<hbm>>)
        tpu.yield
      }) : () -> ()
      %add3A_52 = arith.constant 2 : i32
      %add3A_53 = arith.addi %add3A_42, %add3A_52 : i32
      %mul3A_54 = arith.constant 8 : i32
      %mul3A_55 = arith.muli %add3A_53, %mul3A_54 : i32
      %dma_start3A_56 = tpu.memref_slice %arg5[%mul3A_55] : memref<128xi32, #tpu.memory_space<vmem>> -> memref<4xi32, #tpu.memory_space<vmem>>
      %dma_start3A_57 = arith.constant 0 : i32
      %dma_start3A_58 = arith.constant 0 : i32
      %dma_start3A_59 = arith.constant 0 : i32
      %dma_start3A_60 = tpu.memref_slice %arg2[%dma_start3A_57, %dma_start3A_58, %dma_start3A_59] : memref<24x16x768xf32, #tpu.memory_space<hbm>> -> memref<24x16x768xf32, #tpu.memory_space<hbm>>
      tpu.enqueue_indirect_dma source(%dma_start3A_60 : memref<24x16x768xf32, #tpu.memory_space<hbm>>) target(%arg6 : memref<4x16x768xf32, #tpu.memory_space<vmem>>) offsets(%dma_start3A_56 : memref<4xi32, #tpu.memory_space<vmem>>) semaphore(%arg8 : memref<!tpu.dma_semaphore, #tpu.memory_space<semaphore_mem>>)
      %mul3A_61 = arith.constant 2 : i32
      %mul3A_62 = arith.muli %mul3A_61, %scan3A_38 : i32
      %add3A_63 = arith.constant 1 : i32
      %add3A_64 = arith.addi %mul3A_62, %add3A_63 : i32
      %dma_wait3A_65 = arith.constant 0 : i32
      %dma_wait3A_66 = tpu.memref_slice %arg5[%dma_wait3A_65] : memref<128xi32, #tpu.memory_space<vmem>> -> memref<4xi32, #tpu.memory_space<vmem>>
      %dma_wait3A_67 = arith.constant 0 : i32
      %dma_wait3A_68 = arith.constant 0 : i32
      %dma_wait3A_69 = arith.constant 0 : i32
      %dma_wait3A_70 = tpu.memref_slice %arg2[%dma_wait3A_67, %dma_wait3A_68, %dma_wait3A_69] : memref<24x16x768xf32, #tpu.memory_space<hbm>> -> memref<24x16x768xf32, #tpu.memory_space<hbm>>
      tpu.wait_indirect_dma semaphore(%arg9 : memref<!tpu.dma_semaphore, #tpu.memory_space<semaphore_mem>>) src(%dma_wait3A_70 : memref<24x16x768xf32, #tpu.memory_space<hbm>>) dst(%arg7 : memref<4x16x768xf32, #tpu.memory_space<vmem>>)
      %mul3A_71 = arith.constant 2 : i32
      %mul3A_72 = arith.muli %add3A_64, %mul3A_71 : i32
      %add3A_73 = arith.addi %mul3A_2, %mul3A_72 : i32
      "tpu.region"() ({
        %run_scoped3A = tpu.sem_alloc : memref<!tpu.dma_semaphore, #tpu.memory_space<semaphore_mem>>
        %dma_start3A_83 = tpu.memref_reshape %arg7 : memref<4x16x768xf32, #tpu.memory_space<vmem>> -> memref<2x32x768xf32, #tpu.memory_space<vmem>>
        %dma_start3A_84 = arith.constant 0 : i32
        %dma_start3A_85 = arith.constant 0 : i32
        %dma_start3A_86 = tpu.memref_slice %arg4[%add3A_73, %dma_start3A_84, %dma_start3A_85] : memref<1024x32x768xf32, #tpu.memory_space<hbm>> -> memref<2x32x768xf32, #tpu.memory_space<hbm>>
        %dma_start3A_87 = arith.constant 0 : i32
        %dma_start3A_88 = arith.constant 0 : i32
        %dma_start3A_89 = tpu.memref_slice %arg4[%add3A_73, %dma_start3A_87, %dma_start3A_88] : memref<1024x32x768xf32, #tpu.memory_space<hbm>> -> memref<2x32x768xf32, #tpu.memory_space<hbm>>
        %dma_start3A_90 = tpu.memref_reshape %arg7 : memref<4x16x768xf32, #tpu.memory_space<vmem>> -> memref<2x32x768xf32, #tpu.memory_space<vmem>>
        tpu.enqueue_dma source(%dma_start3A_90 : memref<2x32x768xf32, #tpu.memory_space<vmem>>) target(%dma_start3A_89 : memref<2x32x768xf32, #tpu.memory_space<hbm>>) target_semaphore(%run_scoped3A : memref<!tpu.dma_semaphore, #tpu.memory_space<semaphore_mem>>)
        %dma_wait3A_91 = tpu.memref_reshape %arg7 : memref<4x16x768xf32, #tpu.memory_space<vmem>> -> memref<2x32x768xf32, #tpu.memory_space<vmem>>
        %dma_wait3A_92 = arith.constant 0 : i32
        %dma_wait3A_93 = arith.constant 0 : i32
        %dma_wait3A_94 = tpu.memref_slice %arg4[%add3A_73, %dma_wait3A_92, %dma_wait3A_93] : memref<1024x32x768xf32, #tpu.memory_space<hbm>> -> memref<2x32x768xf32, #tpu.memory_space<hbm>>
        %dma_wait3A_95 = arith.constant 0 : i32
        %dma_wait3A_96 = arith.constant 0 : i32
        %dma_wait3A_97 = tpu.memref_slice %arg4[%add3A_73, %dma_wait3A_95, %dma_wait3A_96] : memref<1024x32x768xf32, #tpu.memory_space<hbm>> -> memref<2x32x768xf32, #tpu.memory_space<hbm>>
        %dma_wait3A_98 = tpu.memref_reshape %arg7 : memref<4x16x768xf32, #tpu.memory_space<vmem>> -> memref<2x32x768xf32, #tpu.memory_space<vmem>>
        tpu.wait_dma2 semaphore(%run_scoped3A : memref<!tpu.dma_semaphore, #tpu.memory_space<semaphore_mem>>) src(%dma_wait3A_98 : memref<2x32x768xf32, #tpu.memory_space<vmem>>) dst(%dma_wait3A_97 : memref<2x32x768xf32, #tpu.memory_space<hbm>>)
        tpu.yield
      }) : () -> ()
      %add3A_74 = arith.constant 2 : i32
      %add3A_75 = arith.addi %add3A_64, %add3A_74 : i32
      %mul3A_76 = arith.constant 8 : i32
      %mul3A_77 = arith.muli %add3A_75, %mul3A_76 : i32
      %dma_start3A_78 = tpu.memref_slice %arg5[%mul3A_77] : memref<128xi32, #tpu.memory_space<vmem>> -> memref<4xi32, #tpu.memory_space<vmem>>
      %dma_start3A_79 = arith.constant 0 : i32
      %dma_start3A_80 = arith.constant 0 : i32
      %dma_start3A_81 = arith.constant 0 : i32
      %dma_start3A_82 = tpu.memref_slice %arg2[%dma_start3A_79, %dma_start3A_80, %dma_start3A_81] : memref<24x16x768xf32, #tpu.memory_space<hbm>> -> memref<24x16x768xf32, #tpu.memory_space<hbm>>
      tpu.enqueue_indirect_dma source(%dma_start3A_82 : memref<24x16x768xf32, #tpu.memory_space<hbm>>) target(%arg7 : memref<4x16x768xf32, #tpu.memory_space<vmem>>) offsets(%dma_start3A_78 : memref<4xi32, #tpu.memory_space<vmem>>) semaphore(%arg9 : memref<!tpu.dma_semaphore, #tpu.memory_space<semaphore_mem>>)
    }
    %scan3A_22 = arith.constant 7 : i32
    %dma_wait3A = arith.constant 0 : i32
    %dma_wait3A_23 = tpu.memref_slice %arg5[%dma_wait3A] : memref<128xi32, #tpu.memory_space<vmem>> -> memref<4xi32, #tpu.memory_space<vmem>>
    %dma_wait3A_24 = arith.constant 0 : i32
    %dma_wait3A_25 = arith.constant 0 : i32
    %dma_wait3A_26 = arith.constant 0 : i32
    %dma_wait3A_27 = tpu.memref_slice %arg2[%dma_wait3A_24, %dma_wait3A_25, %dma_wait3A_26] : memref<24x16x768xf32, #tpu.memory_space<hbm>> -> memref<24x16x768xf32, #tpu.memory_space<hbm>>
    tpu.wait_indirect_dma semaphore(%arg8 : memref<!tpu.dma_semaphore, #tpu.memory_space<semaphore_mem>>) src(%dma_wait3A_27 : memref<24x16x768xf32, #tpu.memory_space<hbm>>) dst(%arg6 : memref<4x16x768xf32, #tpu.memory_space<vmem>>)
    %add3A_28 = arith.constant 28 : i32
    %add3A_29 = arith.addi %mul3A_2, %add3A_28 : i32
    "tpu.region"() ({
      %run_scoped3A = tpu.sem_alloc : memref<!tpu.dma_semaphore, #tpu.memory_space<semaphore_mem>>
      %dma_start3A_38 = tpu.memref_reshape %arg6 : memref<4x16x768xf32, #tpu.memory_space<vmem>> -> memref<2x32x768xf32, #tpu.memory_space<vmem>>
      %dma_start3A_39 = arith.constant 0 : i32
      %dma_start3A_40 = arith.constant 0 : i32
      %dma_start3A_41 = tpu.memref_slice %arg4[%add3A_29, %dma_start3A_39, %dma_start3A_40] : memref<1024x32x768xf32, #tpu.memory_space<hbm>> -> memref<2x32x768xf32, #tpu.memory_space<hbm>>
      %dma_start3A_42 = arith.constant 0 : i32
      %dma_start3A_43 = arith.constant 0 : i32
      %dma_start3A_44 = tpu.memref_slice %arg4[%add3A_29, %dma_start3A_42, %dma_start3A_43] : memref<1024x32x768xf32, #tpu.memory_space<hbm>> -> memref<2x32x768xf32, #tpu.memory_space<hbm>>
      %dma_start3A_45 = tpu.memref_reshape %arg6 : memref<4x16x768xf32, #tpu.memory_space<vmem>> -> memref<2x32x768xf32, #tpu.memory_space<vmem>>
      tpu.enqueue_dma source(%dma_start3A_45 : memref<2x32x768xf32, #tpu.memory_space<vmem>>) target(%dma_start3A_44 : memref<2x32x768xf32, #tpu.memory_space<hbm>>) target_semaphore(%run_scoped3A : memref<!tpu.dma_semaphore, #tpu.memory_space<semaphore_mem>>)
      %dma_wait3A_46 = tpu.memref_reshape %arg6 : memref<4x16x768xf32, #tpu.memory_space<vmem>> -> memref<2x32x768xf32, #tpu.memory_space<vmem>>
      %dma_wait3A_47 = arith.constant 0 : i32
      %dma_wait3A_48 = arith.constant 0 : i32
      %dma_wait3A_49 = tpu.memref_slice %arg4[%add3A_29, %dma_wait3A_47, %dma_wait3A_48] : memref<1024x32x768xf32, #tpu.memory_space<hbm>> -> memref<2x32x768xf32, #tpu.memory_space<hbm>>
      %dma_wait3A_50 = arith.constant 0 : i32
      %dma_wait3A_51 = arith.constant 0 : i32
      %dma_wait3A_52 = tpu.memref_slice %arg4[%add3A_29, %dma_wait3A_50, %dma_wait3A_51] : memref<1024x32x768xf32, #tpu.memory_space<hbm>> -> memref<2x32x768xf32, #tpu.memory_space<hbm>>
      %dma_wait3A_53 = tpu.memref_reshape %arg6 : memref<4x16x768xf32, #tpu.memory_space<vmem>> -> memref<2x32x768xf32, #tpu.memory_space<vmem>>
      tpu.wait_dma2 semaphore(%run_scoped3A : memref<!tpu.dma_semaphore, #tpu.memory_space<semaphore_mem>>) src(%dma_wait3A_53 : memref<2x32x768xf32, #tpu.memory_space<vmem>>) dst(%dma_wait3A_52 : memref<2x32x768xf32, #tpu.memory_space<hbm>>)
      tpu.yield
    }) : () -> ()
    %dma_wait3A_30 = arith.constant 0 : i32
    %dma_wait3A_31 = tpu.memref_slice %arg5[%dma_wait3A_30] : memref<128xi32, #tpu.memory_space<vmem>> -> memref<4xi32, #tpu.memory_space<vmem>>
    %dma_wait3A_32 = arith.constant 0 : i32
    %dma_wait3A_33 = arith.constant 0 : i32
    %dma_wait3A_34 = arith.constant 0 : i32
    %dma_wait3A_35 = tpu.memref_slice %arg2[%dma_wait3A_32, %dma_wait3A_33, %dma_wait3A_34] : memref<24x16x768xf32, #tpu.memory_space<hbm>> -> memref<24x16x768xf32, #tpu.memory_space<hbm>>
    tpu.wait_indirect_dma semaphore(%arg9 : memref<!tpu.dma_semaphore, #tpu.memory_space<semaphore_mem>>) src(%dma_wait3A_35 : memref<24x16x768xf32, #tpu.memory_space<hbm>>) dst(%arg7 : memref<4x16x768xf32, #tpu.memory_space<vmem>>)
    %add3A_36 = arith.constant 30 : i32
    %add3A_37 = arith.addi %mul3A_2, %add3A_36 : i32
    "tpu.region"() ({
      %run_scoped3A = tpu.sem_alloc : memref<!tpu.dma_semaphore, #tpu.memory_space<semaphore_mem>>
      %dma_start3A_38 = tpu.memref_reshape %arg7 : memref<4x16x768xf32, #tpu.memory_space<vmem>> -> memref<2x32x768xf32, #tpu.memory_space<vmem>>
      %dma_start3A_39 = arith.constant 0 : i32
      %dma_start3A_40 = arith.constant 0 : i32
      %dma_start3A_41 = tpu.memref_slice %arg4[%add3A_37, %dma_start3A_39, %dma_start3A_40] : memref<1024x32x768xf32, #tpu.memory_space<hbm>> -> memref<2x32x768xf32, #tpu.memory_space<hbm>>
      %dma_start3A_42 = arith.constant 0 : i32
      %dma_start3A_43 = arith.constant 0 : i32
      %dma_start3A_44 = tpu.memref_slice %arg4[%add3A_37, %dma_start3A_42, %dma_start3A_43] : memref<1024x32x768xf32, #tpu.memory_space<hbm>> -> memref<2x32x768xf32, #tpu.memory_space<hbm>>
      %dma_start3A_45 = tpu.memref_reshape %arg7 : memref<4x16x768xf32, #tpu.memory_space<vmem>> -> memref<2x32x768xf32, #tpu.memory_space<vmem>>
      tpu.enqueue_dma source(%dma_start3A_45 : memref<2x32x768xf32, #tpu.memory_space<vmem>>) target(%dma_start3A_44 : memref<2x32x768xf32, #tpu.memory_space<hbm>>) target_semaphore(%run_scoped3A : memref<!tpu.dma_semaphore, #tpu.memory_space<semaphore_mem>>)
      %dma_wait3A_46 = tpu.memref_reshape %arg7 : memref<4x16x768xf32, #tpu.memory_space<vmem>> -> memref<2x32x768xf32, #tpu.memory_space<vmem>>
      %dma_wait3A_47 = arith.constant 0 : i32
      %dma_wait3A_48 = arith.constant 0 : i32
      %dma_wait3A_49 = tpu.memref_slice %arg4[%add3A_37, %dma_wait3A_47, %dma_wait3A_48] : memref<1024x32x768xf32, #tpu.memory_space<hbm>> -> memref<2x32x768xf32, #tpu.memory_space<hbm>>
      %dma_wait3A_50 = arith.constant 0 : i32
      %dma_wait3A_51 = arith.constant 0 : i32
      %dma_wait3A_52 = tpu.memref_slice %arg4[%add3A_37, %dma_wait3A_50, %dma_wait3A_51] : memref<1024x32x768xf32, #tpu.memory_space<hbm>> -> memref<2x32x768xf32, #tpu.memory_space<hbm>>
      %dma_wait3A_53 = tpu.memref_reshape %arg7 : memref<4x16x768xf32, #tpu.memory_space<vmem>> -> memref<2x32x768xf32, #tpu.memory_space<vmem>>
      tpu.wait_dma2 semaphore(%run_scoped3A : memref<!tpu.dma_semaphore, #tpu.memory_space<semaphore_mem>>) src(%dma_wait3A_53 : memref<2x32x768xf32, #tpu.memory_space<vmem>>) dst(%dma_wait3A_52 : memref<2x32x768xf32, #tpu.memory_space<hbm>>)
      tpu.yield
    }) : () -> ()
    return
  }
}

</mosaic_0001>

<sc_bundles>
// kernel: _gather.3.cloned.1.call-start
scs
__scs_entry_jumppad:
0x0: {  	(pc) =	sbr.rel $0x88, $3  }
0x1: {  	(tag) =	ssettag $0x0;
	lr =	simm.s32 $0x1  }
0x2: {  	[smem:$0x3F9F] =	sst lr;
	_ =	strace $0xD0000000  }
0x3: {  	_ = 	snop  }
0x4: {  	_ = 	snop  }
0x5: {  	_ = 	snop  }
0x6: {  	_ = 	snop  }
0x7: {  	_ = 	snop  }
__scs_overlays_trampoline_lowered:
0x8: {  	[smem:$0x3FAE] =	sst s0  }
0x9: {  	[smem:$0x3FAF] =	sst s1  }
0xa: {  	[smem:$0x3FB0] =	sst s2  }
0xb: {  	[smem:$0x3FB1] =	sst s3  }
0xc: {  	[smem:$0x3FB2] =	sst s4  }
0xd: {  	[smem:$0x3FB3] =	sst s5  }
0xe: {  	[smem:$0x3FB4] =	sst s6  }
0xf: {  	[smem:$0x3FB5] =	sst s7  }
0x10: {  	[smem:$0x3FB6] =	sst s8  }
0x11: {  	[smem:$0x3FB7] =	sst s9;
	s0 =	simm.s32 @!p0 $0x0  }
0x12: {  	s1 =	sld [smem:$0x3F9D];
	s0 =	simm.s32 @p0 $0x1  }
0x13: {  	[smem:$0x3FB8] =	sst s0;
	s0 =	simm.s32 @!p1 $0x0  }
0x14: {  	s2 =	sld [smem:$0x3F9C];
	s0 =	simm.s32 @p1 $0x1  }
0x15: {  	[smem:$0x3FB9] =	sst s0;
	s0 =	simm.s32 @!p2 $0x0  }
0x16: {  	s3 =	sld [smem:$0x3FDB];
	s0 =	simm.s32 @p2 $0x1  }
0x17: {  	s4 =	simm.s32 $0x1BF5;
	[smem:$0x3FBB] =	sst s0  }
0x18: {  	s0 =	sld [smem:$0x3F9E];
	_ =	swait.ge [sflag:s4], $0x0  }
0x19: {  	s7 =	sld [smem:$0x3F9F]  }
0x1a: {  	s8 =	sadd.s32 $0xFFFFE003, lr  }
0x1b: {  	s9 =	sadd.s32 $0xFFFFFEF7, lr;
	s5 =	simm.s32 $0xFFFFFFFF;
	p2 =	slt.u32 s8, $0xFFFFF086  }
0x1c: {  	p1 =	slt.u32 s9, $0xF7A;
	s5 =	simm.s32 @!p2 $0x0  }
0x1d: {  	s5 =	simm.s32 @p1 $0x1;
	p0 =	seq.s32 s7, s2  }
0x1e: {  	s7 =	smul.u32 @!p0 $0xF7A, s2;
	p2 =	seq.s32 @!p0 s5, $0x0  }
0x1f: {  	s9 =	smul.u32 $0xF7A, s1;
	s8 =	simm.s32 @!p0 $0x1BF5;
	p2 =	por !p2, p0  }
0x20: {  	[sflag:s8] =	ssyncset.s32 @!p0 $0xFFFFF086;
	s6 =	sadd.s32 @!p0 s3, s7;
	s7 =	simm.s32 @!p0 $0x108  }
0x21: {  	s3 =	sadd.s32 s3, s9;
	s6 =	sadd.s32 @!p0 $0x88, s6;
	s7 =	simm.s32 @p2 $0x1082  }
0x22: {  	[simem:s7], [sflag:s8] =	dma.local @!p0 [hbm:s6], $0xF7A  }
0x23: {  	s9 =	sor.u32 $0xD0000000, s2;
	s6 =	simm.s32 $0x108;
	_ =	swait.ge @!p0 [sflag:s8], $0x0  }
0x24: {  	s3 =	sadd.s32 $0x88, s3;
	s6 =	simm.s32 @!p1 $0x1082;
	[sflag:s4] =	ssyncset.s32 $0xFFFFF086  }
0x25: {  	[simem:s6], [sflag:s4] =	dma.local [hbm:s3], $0xF7A  }
0x26: {  	[smem:$0x3F9F] =	sst s1;
	(tag) =	ssettag s2;
	_ =	strace s9  }
0x27: {  	s1 =	sld [smem:$0x3FAF]  }
0x28: {  	s2 =	sld [smem:$0x3FB0]  }
0x29: {  	s4 =	sld [smem:$0x3FB2]  }
0x2a: {  	p0 =	seq.s32 s5, $0x0;
	s5 =	sld [smem:$0x3FB3]  }
0x2b: {  	s6 =	sld [smem:$0x3FB4]  }
0x2c: {  	s7 =	sld [smem:$0x3FB5]  }
0x2d: {  	s3 =	simm.s32 $0x108;
	s8 =	sld [smem:$0x3FB6]  }
0x2e: {  	s3 =	simm.s32 @!p0 $0x1082;
	s9 =	sld [smem:$0x3FB7]  }
0x2f: {  	lr =	sadd.s32 s0, s3;
	s0 =	sld [smem:$0x3FAE]  }
0x30: {  	s3 =	sld [smem:$0x3FB1]  }
0x31: {  	[smem:$0x3FBA] =	sst s10  }
0x32: {  	s10 =	sld [smem:$0x3FB8];
	_ =	sdelay $0x3  }
0x33: {  	p0 =	seq.s32 s10, $0x1;
	s10 =	sld [smem:$0x3FBA];
	_ =	sdelay $0x3  }
0x34: {  	[smem:$0x3FBA] =	sst s10  }
0x35: {  	s10 =	sld [smem:$0x3FB9];
	_ =	sdelay $0x3  }
0x36: {  	p1 =	seq.s32 s10, $0x1;
	s10 =	sld [smem:$0x3FBA];
	_ =	sdelay $0x3  }
0x37: {  	[smem:$0x3FBA] =	sst s10  }
0x38: {  	s10 =	sld [smem:$0x3FBB]  }
0x39: {  	_ = 	snop;
	(pc) =	sbr.ind lr, $3  }
0x3a: {  	_ = 	snop  }
0x3b: {  	_ = 	snop  }
0x3c: {  	p2 =	seq.s32 s10, $0x1;
	s10 =	sld [smem:$0x3FBA]  }
0x3d: {  	_ =	shalt  }
0x3e: {  	_ =	shalt  }
0x3f: {  	_ =	shalt  }
0x40: {  	_ =	shalt  }
0x41: {  	_ =	shalt  }
0x42: {  	_ =	shalt  }
0x43: {  	_ =	shalt  }
0x44: {  	_ =	shalt  }
0x45: {  	_ =	shalt  }
0x46: {  	_ =	shalt  }
0x47: {  	_ =	shalt  }
0x48: {  	_ =	shalt  }
0x49: {  	_ =	shalt  }
0x4a: {  	_ =	shalt  }
0x4b: {  	_ =	shalt  }
0x4c: {  	_ =	shalt  }
0x4d: {  	_ =	shalt  }
0x4e: {  	_ =	shalt  }
0x4f: {  	_ =	shalt  }
0x50: {  	_ =	shalt  }
0x51: {  	_ =	shalt  }
0x52: {  	_ =	shalt  }
0x53: {  	_ =	shalt  }
0x54: {  	_ =	shalt  }
0x55: {  	_ =	shalt  }
0x56: {  	_ =	shalt  }
0x57: {  	_ =	shalt  }
0x58: {  	_ =	shalt  }
0x59: {  	_ =	shalt  }
0x5a: {  	_ =	shalt  }
0x5b: {  	_ =	shalt  }
0x5c: {  	_ =	shalt  }
0x5d: {  	_ =	shalt  }
0x5e: {  	_ =	shalt  }
0x5f: {  	_ =	shalt  }
0x60: {  	_ =	shalt  }
0x61: {  	_ =	shalt  }
0x62: {  	_ =	shalt  }
0x63: {  	_ =	shalt  }
0x64: {  	_ =	shalt  }
0x65: {  	_ =	shalt  }
0x66: {  	_ =	shalt  }
0x67: {  	_ =	shalt  }
0x68: {  	_ =	shalt  }
0x69: {  	_ =	shalt  }
0x6a: {  	_ =	shalt  }
0x6b: {  	_ =	shalt  }
0x6c: {  	_ =	shalt  }
0x6d: {  	_ =	shalt  }
0x6e: {  	_ =	shalt  }
0x6f: {  	_ =	shalt  }
0x70: {  	_ =	shalt  }
0x71: {  	_ =	shalt  }
0x72: {  	_ =	shalt  }
0x73: {  	_ =	shalt  }
0x74: {  	_ =	shalt  }
0x75: {  	_ =	shalt  }
0x76: {  	_ =	shalt  }
0x77: {  	_ =	shalt  }
0x78: {  	_ =	shalt  }
0x79: {  	_ =	shalt  }
0x7a: {  	_ =	shalt  }
0x7b: {  	_ =	shalt  }
0x7c: {  	_ =	shalt  }
0x7d: {  	_ =	shalt  }
0x7e: {  	_ =	shalt  }
0x7f: {  	_ =	shalt  }
0x80: {  	_ =	shalt  }
0x81: {  	_ =	shalt  }
0x82: {  	_ =	shalt  }
0x83: {  	_ =	shalt  }
0x84: {  	_ =	shalt  }
0x85: {  	_ =	shalt  }
0x86: {  	_ =	shalt  }
0x87: {  	_ =	shalt  }
.Lfunc_end0:
.L_simem_size_0:
called_computation_lowered:
.L_overlay_start_0:
0x88: {  	s2 =	sld [smem:$0x3FD9]  }
0x89: {  	s3 =	sld [smem:$0x3FFE];
	_ =	sdelay $0x1  }
0x8a: {  	s1 =	srdreg.scid  }
0x8b: {  	s0 =	sand.u32 $0x1, s1  }
0x8c: {  	s18 =	sshll.u32 s0, $0xA;
	s2 =	sadd.s32 s3, s2  }
0x8d: {  	s2 =	sadd.s32 s2, s18  }
0x8e: {  	[smem:$0x3FC6] =	sst s2  }
0x8f: {  	_ = 	snop  }
0x90: {  	s2 =	sld [smem:$0x3FC9]  }
0x91: {  	s19 =	sld [smem:$0x3FC8]  }
0x92: {  	s4 =	sld [smem:$0x3FD0];
	(tm) =	ssettm $0x1  }
0x93: {  	s5 =	sld [smem:$0x3FFB];
	_ =	sdelay $0x3  }
0x94: {  	_ =	strace s5  }
0x95: {  	s5 =	sld [smem:$0x3FFC];
	_ =	sdelay $0x3  }
0x96: {  	_ =	strace s5  }
0x97: {  	s5 =	sld [smem:$0x3FFD];
	_ =	sdelay $0x3  }
0x98: {  	_ =	strace s5  }
0x99: {  	_ =	strace $0x8FFFFFFF  }
0x9a: {  	s20 =	sld [smem:$0x3FDB];
	_ =	sdelay $0x1  }
0x9b: {  	s6 =	simm.s32 $_scs_section_size  }
0x9c: {  	s7 =	simm.s32 $_size__tile_overlayer_lowered;
	s8 =	simm.s32 $_tile_overlayer_lowered  }
0x9d: {  	s23 =	simm.s32 $0x1BFF;
	s22 =	sshll.u32 s8, $0x1;
	s5 =	sadd.s32 s6, s20  }
0x9e: {  	s9 =	simm.s32 $0x0;
	s21 =	sshll.u32 s7, $0x1;
	s7 =	sadd.s32 s22, s5  }
0x9f: {  	[timem:s9], [sflag:s23] =	dma.local [hbm:s7], s21  }
0xa0: {  	_ =	swait.ge [sflag:s23], s21  }
0xa1: {  	s6 =	ssub.s32 $0x0, s21;
	[sflag:s23] =	ssyncset.done $0x0  }
0xa2: {  	[sflag:s23] =	ssyncadd.s32 s6;
	_ =	sdelay $0x1  }
0xa3: {  	s24 =	simm.s32 $0x1B8B  }
0xa4: {  	_ =	swait.ge [sflag:s24], $0x1  }
0xa5: {  	[sflag:s24] =	ssyncset.done $0x0  }
0xa6: {  	s25 =	simm.s32 $0x1B8E;
	[sflag:s24] =	ssyncadd.s32 $0xFFFFFFFF  }
0xa7: {  	s26 =	simm.s32 $execute0_lowered;
	[smem:$0x3FD2] =	sst s25  }
0xa8: {  	s6 =	sshll.u32 s26, $0x1;
	_ =	strace $0x80000046;
	[dreg:$0x1] =	wrdreg $0xFFFFFFFF  }
0xa9: {  	s28 =	simm.s32 $_size_execute0_lowered;
	s5 =	sadd.s32 s5, s6;
	[dreg:$0x0] =	wrdreg $0x0  }
0xaa: {  	s6 =	sshll.u32 s28, $0x1;
	[dreg:$0x2] =	wrdreg s5  }
0xab: {  	[dreg:$0x3] =	wrdreg s6  }
0xac: {  	[dreg:$0x4] =	wrdreg $0xC0  }
0xad: {  	_ =	task [dreg:s9], $0x5FFFF  }
0xae: {  	[dreg:$0x1] =	wrdreg $0xFFFFFFFF  }
0xaf: {  	[dreg:$0x0] =	wrdreg $0x60  }
0xb0: {  	[dreg:$0x2] =	wrdreg s2  }
0xb1: {  	[dreg:$0x3] =	wrdreg s19  }
0xb2: {  	[dreg:$0x4] =	wrdreg s4  }
0xb3: {  	[dreg:$0x5] =	wrdreg $0x9  }
0xb4: {  	_ =	task.clear_ibuf [dreg:s9], $0x6FFFF;
	_ =	strace $0x90000046  }
0xb5: {  	s29 =	simm.s32 $0x9;
	_ =	strace $0x80000048  }
0xb6: {  	_ =	swait.ge [sflag:s29], $0x1  }
0xb7: {  	[sflag:s29] =	ssyncadd.s32 $0xFFFFFFFF  }
0xb8: {  	_ =	strace $0x90000048  }
0xb9: {  	_ =	sfence  }
0xba: {  	s30 =	sld [smem:$0x0];
	_ =	sdelay $0x2  }
0xbb: {  	s31 =	sshll.u32 s1, $0xD;
	s1 =	sshrl.u32 s1, $0x2  }
0xbc: {  	s3 =	sand.u32 $0x4000, s31;
	s1 =	sadd.s32 s1, s30  }
0xbd: {  	s0 =	sor.u32 s3, s0;
	s1 =	sshll.u32 s1, $0x11  }
0xbe: {  	s0 =	sor.u32 s1, s0  }
0xbf: {  	s0 =	sadd.s32 $0x8F2B, s0  }
0xc0: {  	[sflag:s0] =	ssyncadd.remote.s32 $0x1  }
0xc1: {  	_ =	sfence.sel $0xFFFF  }
0xc2: {  	[dreg:$0x0] =	wrdreg $0xFFFFFFFF;
	(pc) =	sbr.abs _section_cstart, $3  }
0xc3: {  	[dreg:$0x1] =	wrdreg $0xFFFFFFFF  }
0xc4: {  	_ =	task.clear_ibuf [dreg:s9], $0x2FFFF;
	_ =	strace $0x9FFFFFFF  }
0xc5: {  	(tm) =	ssettm $0x7FFFFFFF  }
tec
execute0_lowered:
.L_overlay_start_1:
0x0: {  	(tag) =	ssettag $0x1  }
0x1: {  	s1 =	rddreg [dreg:$0x0]  }
0x2: {  	s4 =	rddreg [dreg:$0x1]  }
0x3: {  	s2 =	srdreg.scid;
	s0 =	stileid.u32  }
0x4: {  	s5 =	rddreg [dreg:$0x2];
	s3 =	simm.s32 $0x0;
	s12 =	simm.s32 $0x1  }
0x5: {  	s13 =	simm.s32 $0x2;
	s14 =	simm.s32 $0x0;
	s6 =	sand.u32 $0x1, s2  }
0x6: {  	s7 =	sshll.u32 s0, $0x1;
	[smem:$0x7FF] =	sst s3;
	s11 =	smul.u32 $0x30000, s0  }
0x7: {  	s7 =	sor.u32 s6, s7;
	s8 =	ssub.s32 $0x2, s6;
	s6 =	smul.u32 $0x18000, s6  }
0x8: {  	s2 =	rddreg [dreg:$0x3];
	_ =	strace $0x80000047;
	s9 =	smul.u32 $0xC0000, s7  }
0x9: {  	s10 =	sshrl.u32 s8, $0x1;
	s7 =	sshll.u32 s7, $0x4;
	s31 =	sadd.s32 s11, s5  }
0xa: {  	s11 =	simm.s32 $0xC080;
	s8 =	ssub.s32 s8, s10;
	s4 =	sadd.s32 s4, s7  }
0xb: {  	s10 =	sadd.s32 s6, s31;
	s9 =	sshrl.u32 s9, $0x3;
	s7 =	smax.u32 s8, $0x1  }
0xc: {  	s8 =	sadd.s32 $0x1800, s10;
	s10 =	simm.s32 $0x80;
	s9 =	sadd.s32 s5, s9  }
0xd: {  	vm0 =	vmmov $0xf;
	v0 =	vlaneseq.u32;
	s5 =	sadd.s32 $0x15000, s9;
	s6 =	sadd.s32 $0x16800, s9;
	s9 =	simm.s32 $0x3  }
.LBB2_1:
0xe: {  	[tilespmem:s3], [sflag:$0x3] =	stream.linear.gather [hbm4b:s4+s3], $0x80, $0x38;
	[tilespmem:$0x18080] =	vst v63  }
0xf: {  	_ =	swait.ge [sflag:s9], $0x80  }
0x10: {  	[sflag:s9] =	ssyncset.done $0x0  }
0x11: {  	[sflag:s9] =	ssyncadd.s32 $0xFFFFFF80  }
0x12: {  	v1 =	vld.msk [tilespmem:$0x0], $0xf;
	_ =	sdelay $0x4  }
0x13: {  	v1 =	vmul.u32 $0x3000, v1;
	_ =	sdelay $0x1  }
0x14: {  	v1 =	vperm.xlane v1, v0;
	_ =	sdelay $0x5  }
0x15: {  	[tilespmem:s10], [sflag:$0x1] =	stream.indirect_vreg.gather [hbm4b:s1+s3], $0x3000, v1, vm0, $0x38;
	[tilespmem:$0x18080] =	vst v63  }
0x16: {  	v1 =	vld.msk [tilespmem:$0x8], $0xf;
	_ =	sdelay $0x4  }
0x17: {  	v1 =	vmul.u32 $0x3000, v1;
	_ =	sdelay $0x1  }
0x18: {  	v1 =	vperm.xlane v1, v0;
	_ =	sdelay $0x4  }
0x19: {  	s15 =	smov.u32 s8;
	s16 =	simm.s32 $0x0  }
0x1a: {  	[tilespmem:s11], [sflag:$0x2] =	stream.indirect_vreg.gather [hbm4b:s1+s3], $0x3000, v1, vm0, $0x38;
	[tilespmem:$0x18080] =	vst v63  }
.LBB2_2:
0x1b: {  	_ =	swait.ge [sflag:s12], $0xC000  }
0x1c: {  	[sflag:s12] =	ssyncset.done $0x0  }
0x1d: {  	s17 =	sadd.s32 $0xFFFFE800, s15;
	[sflag:s12] =	ssyncadd.s32 $0xFFFF4000  }
0x1e: {  	[hbm4b:s17+s3] =	stream.linear.scatter [tilespmem:s10], [sflag:$0x3], $0xC000, $0x38;
	[tilespmem:$0x18080] =	vst v63  }
0x1f: {  	_ =	swait.ge [sflag:s9], $0xC000  }
0x20: {  	[sflag:s9] =	ssyncset.done $0x0  }
0x21: {  	s31 =	sshra.s32 s16, $0x2;
	[sflag:s9] =	ssyncadd.s32 $0xFFFF4000  }
0x22: {  	v1 =	vld.msk [tilespmem:s31+$0x10], $0xf;
	_ =	sdelay $0x4  }
0x23: {  	v1 =	vmul.u32 $0x3000, v1;
	_ =	sdelay $0x1  }
0x24: {  	v1 =	vperm.xlane v1, v0;
	_ =	sdelay $0x5  }
0x25: {  	[tilespmem:s10], [sflag:$0x1] =	stream.indirect_vreg.gather [hbm4b:s1+s3], $0x3000, v1, vm0, $0x38;
	[tilespmem:$0x18080] =	vst v63  }
0x26: {  	_ =	swait.ge [sflag:s13], $0xC000  }
0x27: {  	[sflag:s13] =	ssyncset.done $0x0  }
0x28: {  	[sflag:s13] =	ssyncadd.s32 $0xFFFF4000  }
0x29: {  	[hbm4b:s15+s3] =	stream.linear.scatter [tilespmem:s11], [sflag:$0x3], $0xC000, $0x38;
	[tilespmem:$0x18080] =	vst v63  }
0x2a: {  	_ =	swait.ge [sflag:s9], $0xC000  }
0x2b: {  	[sflag:s9] =	ssyncset.done $0x0  }
0x2c: {  	[sflag:s9] =	ssyncadd.s32 $0xFFFF4000  }
0x2d: {  	v1 =	vld.msk [tilespmem:s31+$0x18], $0xf;
	_ =	sdelay $0x4  }
0x2e: {  	v1 =	vmul.u32 $0x3000, v1;
	_ =	sdelay $0x1  }
0x2f: {  	v1 =	vperm.xlane v1, v0  }
0x30: {  	p0 =	sne.s32 s16, $0x180  }
.Ltmp0:
0x31: {  	_ = 	snop;
	(pc) =	sbr.rel @p0 .LBB2_2-.Ltmp0, $3  }
0x32: {  	_ =	sdelay $0x1  }
0x33: {  	s16 =	sadd.s32 $0x40, s16;
	s15 =	sadd.s32 $0x3000, s15  }
0x34: {  	[tilespmem:s11], [sflag:$0x2] =	stream.indirect_vreg.gather [hbm4b:s1+s3], $0x3000, v1, vm0, $0x38;
	[tilespmem:$0x18080] =	vst v63  }
0x35: {  	_ =	swait.ge [sflag:s12], $0xC000  }
0x36: {  	[sflag:s12] =	ssyncset.done $0x0  }
0x37: {  	[sflag:s12] =	ssyncadd.s32 $0xFFFF4000  }
0x38: {  	[hbm4b:s5+s3] =	stream.linear.scatter [tilespmem:s10], [sflag:$0x3], $0xC000, $0x38;
	[tilespmem:$0x18080] =	vst v63  }
0x39: {  	_ =	swait.ge [sflag:s9], $0xC000  }
0x3a: {  	[sflag:s9] =	ssyncset.done $0x0  }
0x3b: {  	[sflag:s9] =	ssyncadd.s32 $0xFFFF4000  }
0x3c: {  	s14 =	sadd.s32 $0x1, s14;
	_ =	swait.ge [sflag:s13], $0xC000  }
0x3d: {  	p0 =	sne.s32 s14, s7;
	[sflag:s13] =	ssyncset.done $0x0  }
.Ltmp1:
0x3e: {  	[sflag:s13] =	ssyncadd.s32 $0xFFFF4000;
	(pc) =	sbr.rel @p0 .LBB2_1-.Ltmp1, $4  }
0x3f: {  	[hbm4b:s6+s3] =	stream.linear.scatter [tilespmem:s11], [sflag:$0x3], $0xC000, $0x38;
	[tilespmem:$0x18080] =	vst v63  }
0x40: {  	_ =	swait.ge [sflag:s9], $0xC000  }
0x41: {  	[sflag:s9] =	ssyncset.done $0x0  }
0x42: {  	[sflag:s9] =	ssyncadd.s32 $0xFFFF4000  }
0x43: {  	_ =	sfence.sel $0x180000  }
0x44: {  	[bflag:$0x0] =	sbarrier.arrive $0xFFFF  }
0x45: {  	p0 =	sne.s32 s0, $0x0;
	_ =	strace $0x90000047  }
0x46: {  	s0 =	sadd.s32 @!p0 $0x100000, s2;
	[bflag:$0x2] =	sbarrier.arrive $0xFFFF  }
0x47: {  	[sflag:s0] =	ssyncadd.tile.s32 @!p0 $0x1;
	_ =	shalt  }
.Lfunc_end2:
_tile_overlayer_lowered:
.L_overlay_start_2:
0x48: {  	(tag) =	ssettag $0x2  }
0x49: {  	s0 =	rddreg [dreg:$0x0];
	s2 =	stileid.u32  }
0x4a: {  	s1 =	rddreg [dreg:$0x1];
	p0 =	sne.s32 s2, $0x0  }
0x4b: {  	s3 =	rddreg [dreg:$0x2];
	[bflag:$0x3] =	sbarrier.arrive $0xFFFF;
	s2 =	simm.s32 @!p0 $0x1C03  }
0x4c: {  	[timem:s3], [sflag:s2] =	dma.local @!p0 [hbm:s0], s1  }
0x4d: {  	s0 =	simm.s32 @!p0 $0x3  }
0x4e: {  	_ =	swait.ge @!p0 [sflag:s0], s1  }
0x4f: {  	s1 =	ssub.s32 @!p0 $0x0, s1;
	[sflag:s0] =	ssyncset.done @!p0 $0x0  }
0x50: {  	[sflag:s0] =	ssyncadd.s32 @!p0 s1  }
0x51: {  	[bflag:$0x3] =	sbarrier.arrive $0xFFFF  }
0x52: {  	_ =	shalt  }

</sc_bundles>
